<compile_context>
chip_gen: v7x
topology: tpu7x:2x2x1
jax: 0.10.2.dev20260603
libtpu: 0.0.44.dev20260713+nightly
codegen_flags: <defaults>
</compile_context>

<pallas_src>
import functools

import jax
import jax.numpy as jnp
from jax import lax
from jax.experimental import pallas as pl
from jax.experimental.pallas import tpu as pltpu
from jax.experimental.pallas import tpu_sc as plsc

NUM_ROWS = 129
DIM = 128
B = 4096
U = 200
TOTAL = B * U

NC = 2
NS = 16
NW = NC * NS
PER_W = TOTAL // NW
G = 128
KPC = 2
CHUNK = G * KPC
NBUF = 2
NCHUNK = PER_W // CHUNK
NOUTER = NCHUNK // NBUF
IDX_ROWS_PER_W = PER_W // G


def _sc_gather(idx2d, table):
    mesh = plsc.VectorSubcoreMesh(core_axis_name="c", subcore_axis_name="s")

    @functools.partial(
        pl.kernel,
        mesh=mesh,
        out_type=jax.ShapeDtypeStruct((TOTAL, DIM), jnp.float32),
        scratch_types=[
            pltpu.VMEM((IDX_ROWS_PER_W, G), jnp.int32),
            pltpu.VMEM((CHUNK, DIM), jnp.float32),
            pltpu.VMEM((CHUNK, DIM), jnp.float32),
            pltpu.VMEM_SHARED((NUM_ROWS, DIM), jnp.float32),
            pltpu.SemaphoreType.DMA,
            pltpu.SemaphoreType.DMA,
            pltpu.SemaphoreType.DMA,
        ],
    )
    def k(idx_hbm, table_hbm, out_hbm, idx_v, rows_v0, rows_v1, table_sh,
          gsem, ssem0, ssem1):
        sid = lax.axis_index("s")
        wid = sid * NC + lax.axis_index("c")
        row0 = wid * IDX_ROWS_PER_W
        out0 = wid * PER_W
        rows_bufs = (rows_v0, rows_v1)
        ssems = (ssem0, ssem1)

        @pl.when(sid == 0)
        def _stage_table():
            pltpu.sync_copy(table_hbm, table_sh)

        pltpu.sync_copy(idx_hbm.at[pl.ds(row0, IDX_ROWS_PER_W)], idx_v)
        plsc.subcore_barrier()

        def body(j, carry):
            for b in range(NBUF):
                rows_v = rows_bufs[b]
                ssem = ssems[b]
                c = j * NBUF + b

                @pl.when(j > 0)
                def _drain():
                    pltpu.make_async_copy(
                        rows_v, out_hbm.at[pl.ds(out0, CHUNK)], ssem
                    ).wait()

                cps = [
                    pltpu.async_copy(
                        table_sh.at[idx_v.at[c * KPC + t]],
                        rows_v.at[pl.ds(t * G, G)],
                        gsem,
                    )
                    for t in range(KPC)
                ]
                for cp in cps:
                    cp.wait()

                pltpu.async_copy(
                    rows_v, out_hbm.at[pl.ds(out0 + c * CHUNK, CHUNK)], ssem
                )
            return carry

        lax.fori_loop(0, NOUTER, body, 0)

        for b in range(NBUF):
            pltpu.make_async_copy(
                rows_bufs[b], out_hbm.at[pl.ds(out0, CHUNK)], ssems[b]
            ).wait()

    return k(idx2d, table)


def kernel(distance_bin_ids, embedding):
    idx2d = distance_bin_ids.reshape(TOTAL // G, G).astype(jnp.int32)
    out = _sc_gather(idx2d, embedding)
    return out.reshape(B, U, DIM)

# --- scband reference (transcript-rebuilt; emitter-appended) ---
"""Pipeline reference for scband-spatial-pos-embedding-80324478370020 (READ-ONLY COPY).

The authoritative reference and input builder live on the scoring server;
editing this copy changes nothing except your own understanding.
"""

import jax, jax.numpy as jnp
import numpy as np

NUM_BINS = 128
DIM = 128
B = 4096
U = 200

def setup_inputs(seed: int = 0) -> dict:
    key = jax.random.key(seed)
    k_idx, k_emb = jax.random.split(key)
    distance_bin_ids = jax.random.randint(k_idx, (B, U), 0, 1 + NUM_BINS, dtype=jnp.int64) if jax.config.jax_enable_x64 else jax.random.randint(k_idx, (B, U), 0, 1 + NUM_BINS, dtype=jnp.int32)
    embedding = jax.random.normal(k_emb, (1 + NUM_BINS, DIM), dtype=jnp.float32)
    return {"distance_bin_ids": distance_bin_ids, "embedding": embedding}

def reference(distance_bin_ids, embedding):
    # nn.Embedding forward: gather rows of the table by index
    return jnp.take(embedding, distance_bin_ids, axis=0)

if __name__ == "__main__":
    import jax
    _d = setup_inputs()
    print(jax.jit(kernel)(*tuple(_d.values())))

</pallas_src>

<mosaic_0001>
#map = affine_map<(d0, d1) -> (0, 0)>
module attributes {stable_mosaic.version = 14 : i64} {
  func.func @k(%arg0: i32, %arg1: i32, %arg2: memref<6400x128xi32, #tpu.memory_space<hbm>>, %arg3: memref<129x128xf32, #tpu.memory_space<hbm>>, %arg4: memref<819200x128xf32, #tpu.memory_space<hbm>>, %arg5: memref<200x128xi32, #tpu.memory_space<vmem>>, %arg6: memref<256x128xf32, #tpu.memory_space<vmem>>, %arg7: memref<256x128xf32, #tpu.memory_space<vmem>>, %arg8: memref<129x128xf32, #tpu.memory_space<vmem_shared>>, %arg9: memref<!tpu.dma_semaphore, #tpu.memory_space<semaphore_mem>>, %arg10: memref<!tpu.dma_semaphore, #tpu.memory_space<semaphore_mem>>, %arg11: memref<!tpu.dma_semaphore, #tpu.memory_space<semaphore_mem>>) attributes {dimension_semantics = [#tpu.dimension_semantics<core_parallel>, #tpu.dimension_semantics<subcore_parallel>], iteration_bounds = array<i64: 2, 16>, scalar_prefetch = 0 : i64, scratch_operands = 7 : i64, tpu.core_type = #tpu.core_type<sc_vector_subcore>, window_params = [{transform_indices = #map}, {transform_indices = #map}, {transform_indices = #map}]} {
    %mul3A = arith.constant 2 : i32
    %mul3A_0 = arith.muli %arg1, %mul3A : i32
    %add3A = arith.addi %mul3A_0, %arg0 : i32
    %mul3A_1 = arith.constant 200 : i32
    %mul3A_2 = arith.muli %add3A, %mul3A_1 : i32
    %mul3A_3 = arith.constant 25600 : i32
    %mul3A_4 = arith.muli %add3A, %mul3A_3 : i32
    %eq3A = arith.constant 0 : i32
    %eq3A_5 = arith.cmpi eq, %arg1, %eq3A : i32
    %convert_element_type3A = arith.extui %eq3A_5 : i1 to i32
    %cond3A = arith.constant 0 : i32
    %cond3A_6 = arith.cmpi ne, %convert_element_type3A, %cond3A : i32
    scf.if %cond3A_6 {
      "tpu.region"() ({
        %run_scoped3A = tpu.sem_alloc : memref<!tpu.dma_semaphore, #tpu.memory_space<semaphore_mem>>
        tpu.enqueue_dma source(%arg3 : memref<129x128xf32, #tpu.memory_space<hbm>>) target(%arg8 : memref<129x128xf32, #tpu.memory_space<vmem_shared>>) target_semaphore(%run_scoped3A : memref<!tpu.dma_semaphore, #tpu.memory_space<semaphore_mem>>)
        tpu.wait_dma2 semaphore(%run_scoped3A : memref<!tpu.dma_semaphore, #tpu.memory_space<semaphore_mem>>) src(%arg3 : memref<129x128xf32, #tpu.memory_space<hbm>>) dst(%arg8 : memref<129x128xf32, #tpu.memory_space<vmem_shared>>)
        tpu.yield
      }) : () -> ()
    } else {
    }
    "tpu.region"() ({
      %run_scoped3A = tpu.sem_alloc : memref<!tpu.dma_semaphore, #tpu.memory_space<semaphore_mem>>
      %dma_start3A = arith.constant 0 : i32
      %dma_start3A_19 = tpu.memref_slice %arg2[%mul3A_2, %dma_start3A] : memref<6400x128xi32, #tpu.memory_space<hbm>> -> memref<200x128xi32, #tpu.memory_space<hbm>>
      %dma_start3A_20 = arith.constant 0 : i32
      %dma_start3A_21 = tpu.memref_slice %arg2[%mul3A_2, %dma_start3A_20] : memref<6400x128xi32, #tpu.memory_space<hbm>> -> memref<200x128xi32, #tpu.memory_space<hbm>>
      tpu.enqueue_dma source(%dma_start3A_21 : memref<200x128xi32, #tpu.memory_space<hbm>>) target(%arg5 : memref<200x128xi32, #tpu.memory_space<vmem>>) target_semaphore(%run_scoped3A : memref<!tpu.dma_semaphore, #tpu.memory_space<semaphore_mem>>)
      %dma_wait3A_22 = arith.constant 0 : i32
      %dma_wait3A_23 = tpu.memref_slice %arg2[%mul3A_2, %dma_wait3A_22] : memref<6400x128xi32, #tpu.memory_space<hbm>> -> memref<200x128xi32, #tpu.memory_space<hbm>>
      %dma_wait3A_24 = arith.constant 0 : i32
      %dma_wait3A_25 = tpu.memref_slice %arg2[%mul3A_2, %dma_wait3A_24] : memref<6400x128xi32, #tpu.memory_space<hbm>> -> memref<200x128xi32, #tpu.memory_space<hbm>>
      tpu.wait_dma2 semaphore(%run_scoped3A : memref<!tpu.dma_semaphore, #tpu.memory_space<semaphore_mem>>) src(%dma_wait3A_25 : memref<200x128xi32, #tpu.memory_space<hbm>>) dst(%arg5 : memref<200x128xi32, #tpu.memory_space<vmem>>)
      tpu.yield
    }) : () -> ()
    %barrier3A = arith.constant 0 : index
    tpu.barrier barrier_id(%barrier3A)
    %scan3A = arith.constant 0 : i32
    %scan3A_7 = arith.constant 0 : i32
    %scan3A_8 = arith.constant 50 : i32
    %scan3A_9 = arith.addi %scan3A_7, %scan3A_8 : i32
    %scan3A_10 = arith.constant 1 : i32
    scf.for %scan3A_19 = %scan3A_7 to %scan3A_9 step %scan3A_10  : i32 {
      %mul3A_20 = arith.constant 2 : i32
      %mul3A_21 = arith.muli %scan3A_19, %mul3A_20 : i32
      %add3A_22 = arith.constant 0 : i32
      %add3A_23 = arith.addi %mul3A_21, %add3A_22 : i32
      %gt3A = arith.constant 0 : i32
      %gt3A_24 = arith.cmpi sgt, %scan3A_19, %gt3A : i32
      %convert_element_type3A_25 = arith.extui %gt3A_24 : i1 to i32
      %cond3A_26 = arith.constant 0 : i32
      %cond3A_27 = arith.cmpi ne, %convert_element_type3A_25, %cond3A_26 : i32
      scf.if %cond3A_27 {
        %dma_wait3A_138 = arith.constant 0 : i32
        %dma_wait3A_139 = tpu.memref_slice %arg4[%mul3A_4, %dma_wait3A_138] : memref<819200x128xf32, #tpu.memory_space<hbm>> -> memref<256x128xf32, #tpu.memory_space<hbm>>
        %dma_wait3A_140 = arith.constant 0 : i32
        %dma_wait3A_141 = tpu.memref_slice %arg4[%mul3A_4, %dma_wait3A_140] : memref<819200x128xf32, #tpu.memory_space<hbm>> -> memref<256x128xf32, #tpu.memory_space<hbm>>
        tpu.wait_dma2 semaphore(%arg10 : memref<!tpu.dma_semaphore, #tpu.memory_space<semaphore_mem>>) src(%arg6 : memref<256x128xf32, #tpu.memory_space<vmem>>) dst(%dma_wait3A_141 : memref<256x128xf32, #tpu.memory_space<hbm>>)
      } else {
      }
      %mul3A_28 = arith.constant 2 : i32
      %mul3A_29 = arith.muli %add3A_23, %mul3A_28 : i32
      %add3A_30 = arith.constant 0 : i32
      %add3A_31 = arith.addi %mul3A_29, %add3A_30 : i32
      %dma_start3A = arith.constant 0 : i32
      %dma_start3A_32 = arith.constant 0 : i32
      %dma_start3A_33 = tpu.memref_slice %arg6[%dma_start3A, %dma_start3A_32] : memref<256x128xf32, #tpu.memory_space<vmem>> -> memref<128x128xf32, #tpu.memory_space<vmem>>
      %dma_start3A_34 = arith.constant 0 : i32
      %dma_start3A_35 = tpu.memref_slice %arg5[%add3A_31, %dma_start3A_34] : memref<200x128xi32, #tpu.memory_space<vmem>> -> memref<1x128xi32, #tpu.memory_space<vmem>>
      %dma_start3A_36 = tpu.memref_squeeze %dma_start3A_35 : memref<1x128xi32, #tpu.memory_space<vmem>> -> memref<128xi32, #tpu.memory_space<vmem>>
      %dma_start3A_37 = arith.constant 0 : i32
      %dma_start3A_38 = arith.constant 0 : i32
      %dma_start3A_39 = tpu.memref_slice %arg8[%dma_start3A_37, %dma_start3A_38] : memref<129x128xf32, #tpu.memory_space<vmem_shared>> -> memref<129x128xf32, #tpu.memory_space<vmem_shared>>
      tpu.enqueue_indirect_dma source(%dma_start3A_39 : memref<129x128xf32, #tpu.memory_space<vmem_shared>>) target(%dma_start3A_33 : memref<128x128xf32, #tpu.memory_space<vmem>>) offsets(%dma_start3A_36 : memref<128xi32, #tpu.memory_space<vmem>>) semaphore(%arg9 : memref<!tpu.dma_semaphore, #tpu.memory_space<semaphore_mem>>)
      %mul3A_40 = arith.constant 2 : i32
      %mul3A_41 = arith.muli %add3A_23, %mul3A_40 : i32
      %add3A_42 = arith.constant 1 : i32
      %add3A_43 = arith.addi %mul3A_41, %add3A_42 : i32
      %dma_start3A_44 = arith.constant 128 : i32
      %dma_start3A_45 = arith.constant 0 : i32
      %dma_start3A_46 = tpu.memref_slice %arg6[%dma_start3A_44, %dma_start3A_45] : memref<256x128xf32, #tpu.memory_space<vmem>> -> memref<128x128xf32, #tpu.memory_space<vmem>>
      %dma_start3A_47 = arith.constant 0 : i32
      %dma_start3A_48 = tpu.memref_slice %arg5[%add3A_43, %dma_start3A_47] : memref<200x128xi32, #tpu.memory_space<vmem>> -> memref<1x128xi32, #tpu.memory_space<vmem>>
      %dma_start3A_49 = tpu.memref_squeeze %dma_start3A_48 : memref<1x128xi32, #tpu.memory_space<vmem>> -> memref<128xi32, #tpu.memory_space<vmem>>
      %dma_start3A_50 = arith.constant 0 : i32
      %dma_start3A_51 = arith.constant 0 : i32
      %dma_start3A_52 = tpu.memref_slice %arg8[%dma_start3A_50, %dma_start3A_51] : memref<129x128xf32, #tpu.memory_space<vmem_shared>> -> memref<129x128xf32, #tpu.memory_space<vmem_shared>>
      tpu.enqueue_indirect_dma source(%dma_start3A_52 : memref<129x128xf32, #tpu.memory_space<vmem_shared>>) target(%dma_start3A_46 : memref<128x128xf32, #tpu.memory_space<vmem>>) offsets(%dma_start3A_49 : memref<128xi32, #tpu.memory_space<vmem>>) semaphore(%arg9 : memref<!tpu.dma_semaphore, #tpu.memory_space<semaphore_mem>>)
      %dma_wait3A_53 = arith.constant 0 : i32
      %dma_wait3A_54 = arith.constant 0 : i32
      %dma_wait3A_55 = tpu.memref_slice %arg6[%dma_wait3A_53, %dma_wait3A_54] : memref<256x128xf32, #tpu.memory_space<vmem>> -> memref<128x128xf32, #tpu.memory_space<vmem>>
      %dma_wait3A_56 = arith.constant 0 : i32
      %dma_wait3A_57 = tpu.memref_slice %arg5[%add3A_31, %dma_wait3A_56] : memref<200x128xi32, #tpu.memory_space<vmem>> -> memref<1x128xi32, #tpu.memory_space<vmem>>
      %dma_wait3A_58 = tpu.memref_squeeze %dma_wait3A_57 : memref<1x128xi32, #tpu.memory_space<vmem>> -> memref<128xi32, #tpu.memory_space<vmem>>
      %dma_wait3A_59 = arith.constant 0 : i32
      %dma_wait3A_60 = arith.constant 0 : i32
      %dma_wait3A_61 = tpu.memref_slice %arg8[%dma_wait3A_59, %dma_wait3A_60] : memref<129x128xf32, #tpu.memory_space<vmem_shared>> -> memref<129x128xf32, #tpu.memory_space<vmem_shared>>
      tpu.wait_indirect_dma semaphore(%arg9 : memref<!tpu.dma_semaphore, #tpu.memory_space<semaphore_mem>>) src(%dma_wait3A_61 : memref<129x128xf32, #tpu.memory_space<vmem_shared>>) dst(%dma_wait3A_55 : memref<128x128xf32, #tpu.memory_space<vmem>>)
      %dma_wait3A_62 = arith.constant 128 : i32
      %dma_wait3A_63 = arith.constant 0 : i32
      %dma_wait3A_64 = tpu.memref_slice %arg6[%dma_wait3A_62, %dma_wait3A_63] : memref<256x128xf32, #tpu.memory_space<vmem>> -> memref<128x128xf32, #tpu.memory_space<vmem>>
      %dma_wait3A_65 = arith.constant 0 : i32
      %dma_wait3A_66 = tpu.memref_slice %arg5[%add3A_43, %dma_wait3A_65] : memref<200x128xi32, #tpu.memory_space<vmem>> -> memref<1x128xi32, #tpu.memory_space<vmem>>
      %dma_wait3A_67 = tpu.memref_squeeze %dma_wait3A_66 : memref<1x128xi32, #tpu.memory_space<vmem>> -> memref<128xi32, #tpu.memory_space<vmem>>
      %dma_wait3A_68 = arith.constant 0 : i32
      %dma_wait3A_69 = arith.constant 0 : i32
      %dma_wait3A_70 = tpu.memref_slice %arg8[%dma_wait3A_68, %dma_wait3A_69] : memref<129x128xf32, #tpu.memory_space<vmem_shared>> -> memref<129x128xf32, #tpu.memory_space<vmem_shared>>
      tpu.wait_indirect_dma semaphore(%arg9 : memref<!tpu.dma_semaphore, #tpu.memory_space<semaphore_mem>>) src(%dma_wait3A_70 : memref<129x128xf32, #tpu.memory_space<vmem_shared>>) dst(%dma_wait3A_64 : memref<128x128xf32, #tpu.memory_space<vmem>>)
      %mul3A_71 = arith.constant 256 : i32
      %mul3A_72 = arith.muli %add3A_23, %mul3A_71 : i32
      %add3A_73 = arith.addi %mul3A_4, %mul3A_72 : i32
      %dma_start3A_74 = arith.constant 0 : i32
      %dma_start3A_75 = tpu.memref_slice %arg4[%add3A_73, %dma_start3A_74] : memref<819200x128xf32, #tpu.memory_space<hbm>> -> memref<256x128xf32, #tpu.memory_space<hbm>>
      %dma_start3A_76 = arith.constant 0 : i32
      %dma_start3A_77 = tpu.memref_slice %arg4[%add3A_73, %dma_start3A_76] : memref<819200x128xf32, #tpu.memory_space<hbm>> -> memref<256x128xf32, #tpu.memory_space<hbm>>
      tpu.enqueue_dma source(%arg6 : memref<256x128xf32, #tpu.memory_space<vmem>>) target(%dma_start3A_77 : memref<256x128xf32, #tpu.memory_space<hbm>>) target_semaphore(%arg10 : memref<!tpu.dma_semaphore, #tpu.memory_space<semaphore_mem>>)
      %mul3A_78 = arith.constant 2 : i32
      %mul3A_79 = arith.muli %scan3A_19, %mul3A_78 : i32
      %add3A_80 = arith.constant 1 : i32
      %add3A_81 = arith.addi %mul3A_79, %add3A_80 : i32
      %gt3A_82 = arith.constant 0 : i32
      %gt3A_83 = arith.cmpi sgt, %scan3A_19, %gt3A_82 : i32
      %convert_element_type3A_84 = arith.extui %gt3A_83 : i1 to i32
      %cond3A_85 = arith.constant 0 : i32
      %cond3A_86 = arith.cmpi ne, %convert_element_type3A_84, %cond3A_85 : i32
      scf.if %cond3A_86 {
        %dma_wait3A_138 = arith.constant 0 : i32
        %dma_wait3A_139 = tpu.memref_slice %arg4[%mul3A_4, %dma_wait3A_138] : memref<819200x128xf32, #tpu.memory_space<hbm>> -> memref<256x128xf32, #tpu.memory_space<hbm>>
        %dma_wait3A_140 = arith.constant 0 : i32
        %dma_wait3A_141 = tpu.memref_slice %arg4[%mul3A_4, %dma_wait3A_140] : memref<819200x128xf32, #tpu.memory_space<hbm>> -> memref<256x128xf32, #tpu.memory_space<hbm>>
        tpu.wait_dma2 semaphore(%arg11 : memref<!tpu.dma_semaphore, #tpu.memory_space<semaphore_mem>>) src(%arg7 : memref<256x128xf32, #tpu.memory_space<vmem>>) dst(%dma_wait3A_141 : memref<256x128xf32, #tpu.memory_space<hbm>>)
      } else {
      }
      %mul3A_87 = arith.constant 2 : i32
      %mul3A_88 = arith.muli %add3A_81, %mul3A_87 : i32
      %add3A_89 = arith.constant 0 : i32
      %add3A_90 = arith.addi %mul3A_88, %add3A_89 : i32
      %dma_start3A_91 = arith.constant 0 : i32
      %dma_start3A_92 = arith.constant 0 : i32
      %dma_start3A_93 = tpu.memref_slice %arg7[%dma_start3A_91, %dma_start3A_92] : memref<256x128xf32, #tpu.memory_space<vmem>> -> memref<128x128xf32, #tpu.memory_space<vmem>>
      %dma_start3A_94 = arith.constant 0 : i32
      %dma_start3A_95 = tpu.memref_slice %arg5[%add3A_90, %dma_start3A_94] : memref<200x128xi32, #tpu.memory_space<vmem>> -> memref<1x128xi32, #tpu.memory_space<vmem>>
      %dma_start3A_96 = tpu.memref_squeeze %dma_start3A_95 : memref<1x128xi32, #tpu.memory_space<vmem>> -> memref<128xi32, #tpu.memory_space<vmem>>
      %dma_start3A_97 = arith.constant 0 : i32
      %dma_start3A_98 = arith.constant 0 : i32
      %dma_start3A_99 = tpu.memref_slice %arg8[%dma_start3A_97, %dma_start3A_98] : memref<129x128xf32, #tpu.memory_space<vmem_shared>> -> memref<129x128xf32, #tpu.memory_space<vmem_shared>>
      tpu.enqueue_indirect_dma source(%dma_start3A_99 : memref<129x128xf32, #tpu.memory_space<vmem_shared>>) target(%dma_start3A_93 : memref<128x128xf32, #tpu.memory_space<vmem>>) offsets(%dma_start3A_96 : memref<128xi32, #tpu.memory_space<vmem>>) semaphore(%arg9 : memref<!tpu.dma_semaphore, #tpu.memory_space<semaphore_mem>>)
      %mul3A_100 = arith.constant 2 : i32
      %mul3A_101 = arith.muli %add3A_81, %mul3A_100 : i32
      %add3A_102 = arith.constant 1 : i32
      %add3A_103 = arith.addi %mul3A_101, %add3A_102 : i32
      %dma_start3A_104 = arith.constant 128 : i32
      %dma_start3A_105 = arith.constant 0 : i32
      %dma_start3A_106 = tpu.memref_slice %arg7[%dma_start3A_104, %dma_start3A_105] : memref<256x128xf32, #tpu.memory_space<vmem>> -> memref<128x128xf32, #tpu.memory_space<vmem>>
      %dma_start3A_107 = arith.constant 0 : i32
      %dma_start3A_108 = tpu.memref_slice %arg5[%add3A_103, %dma_start3A_107] : memref<200x128xi32, #tpu.memory_space<vmem>> -> memref<1x128xi32, #tpu.memory_space<vmem>>
      %dma_start3A_109 = tpu.memref_squeeze %dma_start3A_108 : memref<1x128xi32, #tpu.memory_space<vmem>> -> memref<128xi32, #tpu.memory_space<vmem>>
      %dma_start3A_110 = arith.constant 0 : i32
      %dma_start3A_111 = arith.constant 0 : i32
      %dma_start3A_112 = tpu.memref_slice %arg8[%dma_start3A_110, %dma_start3A_111] : memref<129x128xf32, #tpu.memory_space<vmem_shared>> -> memref<129x128xf32, #tpu.memory_space<vmem_shared>>
      tpu.enqueue_indirect_dma source(%dma_start3A_112 : memref<129x128xf32, #tpu.memory_space<vmem_shared>>) target(%dma_start3A_106 : memref<128x128xf32, #tpu.memory_space<vmem>>) offsets(%dma_start3A_109 : memref<128xi32, #tpu.memory_space<vmem>>) semaphore(%arg9 : memref<!tpu.dma_semaphore, #tpu.memory_space<semaphore_mem>>)
      %dma_wait3A_113 = arith.constant 0 : i32
      %dma_wait3A_114 = arith.constant 0 : i32
      %dma_wait3A_115 = tpu.memref_slice %arg7[%dma_wait3A_113, %dma_wait3A_114] : memref<256x128xf32, #tpu.memory_space<vmem>> -> memref<128x128xf32, #tpu.memory_space<vmem>>
      %dma_wait3A_116 = arith.constant 0 : i32
      %dma_wait3A_117 = tpu.memref_slice %arg5[%add3A_90, %dma_wait3A_116] : memref<200x128xi32, #tpu.memory_space<vmem>> -> memref<1x128xi32, #tpu.memory_space<vmem>>
      %dma_wait3A_118 = tpu.memref_squeeze %dma_wait3A_117 : memref<1x128xi32, #tpu.memory_space<vmem>> -> memref<128xi32, #tpu.memory_space<vmem>>
      %dma_wait3A_119 = arith.constant 0 : i32
      %dma_wait3A_120 = arith.constant 0 : i32
      %dma_wait3A_121 = tpu.memref_slice %arg8[%dma_wait3A_119, %dma_wait3A_120] : memref<129x128xf32, #tpu.memory_space<vmem_shared>> -> memref<129x128xf32, #tpu.memory_space<vmem_shared>>
      tpu.wait_indirect_dma semaphore(%arg9 : memref<!tpu.dma_semaphore, #tpu.memory_space<semaphore_mem>>) src(%dma_wait3A_121 : memref<129x128xf32, #tpu.memory_space<vmem_shared>>) dst(%dma_wait3A_115 : memref<128x128xf32, #tpu.memory_space<vmem>>)
      %dma_wait3A_122 = arith.constant 128 : i32
      %dma_wait3A_123 = arith.constant 0 : i32
      %dma_wait3A_124 = tpu.memref_slice %arg7[%dma_wait3A_122, %dma_wait3A_123] : memref<256x128xf32, #tpu.memory_space<vmem>> -> memref<128x128xf32, #tpu.memory_space<vmem>>
      %dma_wait3A_125 = arith.constant 0 : i32
      %dma_wait3A_126 = tpu.memref_slice %arg5[%add3A_103, %dma_wait3A_125] : memref<200x128xi32, #tpu.memory_space<vmem>> -> memref<1x128xi32, #tpu.memory_space<vmem>>
      %dma_wait3A_127 = tpu.memref_squeeze %dma_wait3A_126 : memref<1x128xi32, #tpu.memory_space<vmem>> -> memref<128xi32, #tpu.memory_space<vmem>>
      %dma_wait3A_128 = arith.constant 0 : i32
      %dma_wait3A_129 = arith.constant 0 : i32
      %dma_wait3A_130 = tpu.memref_slice %arg8[%dma_wait3A_128, %dma_wait3A_129] : memref<129x128xf32, #tpu.memory_space<vmem_shared>> -> memref<129x128xf32, #tpu.memory_space<vmem_shared>>
      tpu.wait_indirect_dma semaphore(%arg9 : memref<!tpu.dma_semaphore, #tpu.memory_space<semaphore_mem>>) src(%dma_wait3A_130 : memref<129x128xf32, #tpu.memory_space<vmem_shared>>) dst(%dma_wait3A_124 : memref<128x128xf32, #tpu.memory_space<vmem>>)
      %mul3A_131 = arith.constant 256 : i32
      %mul3A_132 = arith.muli %add3A_81, %mul3A_131 : i32
      %add3A_133 = arith.addi %mul3A_4, %mul3A_132 : i32
      %dma_start3A_134 = arith.constant 0 : i32
      %dma_start3A_135 = tpu.memref_slice %arg4[%add3A_133, %dma_start3A_134] : memref<819200x128xf32, #tpu.memory_space<hbm>> -> memref<256x128xf32, #tpu.memory_space<hbm>>
      %dma_start3A_136 = arith.constant 0 : i32
      %dma_start3A_137 = tpu.memref_slice %arg4[%add3A_133, %dma_start3A_136] : memref<819200x128xf32, #tpu.memory_space<hbm>> -> memref<256x128xf32, #tpu.memory_space<hbm>>
      tpu.enqueue_dma source(%arg7 : memref<256x128xf32, #tpu.memory_space<vmem>>) target(%dma_start3A_137 : memref<256x128xf32, #tpu.memory_space<hbm>>) target_semaphore(%arg11 : memref<!tpu.dma_semaphore, #tpu.memory_space<semaphore_mem>>)
    }
    %scan3A_11 = arith.constant 50 : i32
    %dma_wait3A = arith.constant 0 : i32
    %dma_wait3A_12 = tpu.memref_slice %arg4[%mul3A_4, %dma_wait3A] : memref<819200x128xf32, #tpu.memory_space<hbm>> -> memref<256x128xf32, #tpu.memory_space<hbm>>
    %dma_wait3A_13 = arith.constant 0 : i32
    %dma_wait3A_14 = tpu.memref_slice %arg4[%mul3A_4, %dma_wait3A_13] : memref<819200x128xf32, #tpu.memory_space<hbm>> -> memref<256x128xf32, #tpu.memory_space<hbm>>
    tpu.wait_dma2 semaphore(%arg10 : memref<!tpu.dma_semaphore, #tpu.memory_space<semaphore_mem>>) src(%arg6 : memref<256x128xf32, #tpu.memory_space<vmem>>) dst(%dma_wait3A_14 : memref<256x128xf32, #tpu.memory_space<hbm>>)
    %dma_wait3A_15 = arith.constant 0 : i32
    %dma_wait3A_16 = tpu.memref_slice %arg4[%mul3A_4, %dma_wait3A_15] : memref<819200x128xf32, #tpu.memory_space<hbm>> -> memref<256x128xf32, #tpu.memory_space<hbm>>
    %dma_wait3A_17 = arith.constant 0 : i32
    %dma_wait3A_18 = tpu.memref_slice %arg4[%mul3A_4, %dma_wait3A_17] : memref<819200x128xf32, #tpu.memory_space<hbm>> -> memref<256x128xf32, #tpu.memory_space<hbm>>
    tpu.wait_dma2 semaphore(%arg11 : memref<!tpu.dma_semaphore, #tpu.memory_space<semaphore_mem>>) src(%arg7 : memref<256x128xf32, #tpu.memory_space<vmem>>) dst(%dma_wait3A_18 : memref<256x128xf32, #tpu.memory_space<hbm>>)
    return
  }
}

</mosaic_0001>

<sc_bundles>
// kernel: kernel.3.cloned.1.call-start
scs
__scs_entry_jumppad:
0x0: {  	(pc) =	sbr.rel $0x88, $3  }
0x1: {  	(tag) =	ssettag $0x0;
	lr =	simm.s32 $0x1  }
0x2: {  	[smem:$0x3F9F] =	sst lr;
	_ =	strace $0xD0000000  }
0x3: {  	_ = 	snop  }
0x4: {  	_ = 	snop  }
0x5: {  	_ = 	snop  }
0x6: {  	_ = 	snop  }
0x7: {  	_ = 	snop  }
__scs_overlays_trampoline_lowered:
0x8: {  	[smem:$0x3FAE] =	sst s0  }
0x9: {  	[smem:$0x3FAF] =	sst s1  }
0xa: {  	[smem:$0x3FB0] =	sst s2  }
0xb: {  	[smem:$0x3FB1] =	sst s3  }
0xc: {  	[smem:$0x3FB2] =	sst s4  }
0xd: {  	[smem:$0x3FB3] =	sst s5  }
0xe: {  	[smem:$0x3FB4] =	sst s6  }
0xf: {  	[smem:$0x3FB5] =	sst s7  }
0x10: {  	[smem:$0x3FB6] =	sst s8  }
0x11: {  	[smem:$0x3FB7] =	sst s9;
	s0 =	simm.s32 @!p0 $0x0  }
0x12: {  	s1 =	sld [smem:$0x3F9D];
	s0 =	simm.s32 @p0 $0x1  }
0x13: {  	[smem:$0x3FB8] =	sst s0;
	s0 =	simm.s32 @!p1 $0x0  }
0x14: {  	s2 =	sld [smem:$0x3F9C];
	s0 =	simm.s32 @p1 $0x1  }
0x15: {  	[smem:$0x3FB9] =	sst s0;
	s0 =	simm.s32 @!p2 $0x0  }
0x16: {  	s3 =	sld [smem:$0x3FDB];
	s0 =	simm.s32 @p2 $0x1  }
0x17: {  	s4 =	simm.s32 $0x1BF5;
	[smem:$0x3FBB] =	sst s0  }
0x18: {  	s0 =	sld [smem:$0x3F9E];
	_ =	swait.ge [sflag:s4], $0x0  }
0x19: {  	s7 =	sld [smem:$0x3F9F]  }
0x1a: {  	s8 =	sadd.s32 $0xFFFFE003, lr  }
0x1b: {  	s9 =	sadd.s32 $0xFFFFFEF7, lr;
	s5 =	simm.s32 $0xFFFFFFFF;
	p2 =	slt.u32 s8, $0xFFFFF086  }
0x1c: {  	p1 =	slt.u32 s9, $0xF7A;
	s5 =	simm.s32 @!p2 $0x0  }
0x1d: {  	s5 =	simm.s32 @p1 $0x1;
	p0 =	seq.s32 s7, s2  }
0x1e: {  	s7 =	smul.u32 @!p0 $0xF7A, s2;
	p2 =	seq.s32 @!p0 s5, $0x0  }
0x1f: {  	s9 =	smul.u32 $0xF7A, s1;
	s8 =	simm.s32 @!p0 $0x1BF5;
	p2 =	por !p2, p0  }
0x20: {  	[sflag:s8] =	ssyncset.s32 @!p0 $0xFFFFF086;
	s6 =	sadd.s32 @!p0 s3, s7;
	s7 =	simm.s32 @!p0 $0x108  }
0x21: {  	s3 =	sadd.s32 s3, s9;
	s6 =	sadd.s32 @!p0 $0x88, s6;
	s7 =	simm.s32 @p2 $0x1082  }
0x22: {  	[simem:s7], [sflag:s8] =	dma.local @!p0 [hbm:s6], $0xF7A  }
0x23: {  	s9 =	sor.u32 $0xD0000000, s2;
	s6 =	simm.s32 $0x108;
	_ =	swait.ge @!p0 [sflag:s8], $0x0  }
0x24: {  	s3 =	sadd.s32 $0x88, s3;
	s6 =	simm.s32 @!p1 $0x1082;
	[sflag:s4] =	ssyncset.s32 $0xFFFFF086  }
0x25: {  	[simem:s6], [sflag:s4] =	dma.local [hbm:s3], $0xF7A  }
0x26: {  	[smem:$0x3F9F] =	sst s1;
	(tag) =	ssettag s2;
	_ =	strace s9  }
0x27: {  	s1 =	sld [smem:$0x3FAF]  }
0x28: {  	s2 =	sld [smem:$0x3FB0]  }
0x29: {  	s4 =	sld [smem:$0x3FB2]  }
0x2a: {  	p0 =	seq.s32 s5, $0x0;
	s5 =	sld [smem:$0x3FB3]  }
0x2b: {  	s6 =	sld [smem:$0x3FB4]  }
0x2c: {  	s7 =	sld [smem:$0x3FB5]  }
0x2d: {  	s3 =	simm.s32 $0x108;
	s8 =	sld [smem:$0x3FB6]  }
0x2e: {  	s3 =	simm.s32 @!p0 $0x1082;
	s9 =	sld [smem:$0x3FB7]  }
0x2f: {  	lr =	sadd.s32 s0, s3;
	s0 =	sld [smem:$0x3FAE]  }
0x30: {  	s3 =	sld [smem:$0x3FB1]  }
0x31: {  	[smem:$0x3FBA] =	sst s10  }
0x32: {  	s10 =	sld [smem:$0x3FB8];
	_ =	sdelay $0x3  }
0x33: {  	p0 =	seq.s32 s10, $0x1;
	s10 =	sld [smem:$0x3FBA];
	_ =	sdelay $0x3  }
0x34: {  	[smem:$0x3FBA] =	sst s10  }
0x35: {  	s10 =	sld [smem:$0x3FB9];
	_ =	sdelay $0x3  }
0x36: {  	p1 =	seq.s32 s10, $0x1;
	s10 =	sld [smem:$0x3FBA];
	_ =	sdelay $0x3  }
0x37: {  	[smem:$0x3FBA] =	sst s10  }
0x38: {  	s10 =	sld [smem:$0x3FBB]  }
0x39: {  	_ = 	snop;
	(pc) =	sbr.ind lr, $3  }
0x3a: {  	_ = 	snop  }
0x3b: {  	_ = 	snop  }
0x3c: {  	p2 =	seq.s32 s10, $0x1;
	s10 =	sld [smem:$0x3FBA]  }
0x3d: {  	_ =	shalt  }
0x3e: {  	_ =	shalt  }
0x3f: {  	_ =	shalt  }
0x40: {  	_ =	shalt  }
0x41: {  	_ =	shalt  }
0x42: {  	_ =	shalt  }
0x43: {  	_ =	shalt  }
0x44: {  	_ =	shalt  }
0x45: {  	_ =	shalt  }
0x46: {  	_ =	shalt  }
0x47: {  	_ =	shalt  }
0x48: {  	_ =	shalt  }
0x49: {  	_ =	shalt  }
0x4a: {  	_ =	shalt  }
0x4b: {  	_ =	shalt  }
0x4c: {  	_ =	shalt  }
0x4d: {  	_ =	shalt  }
0x4e: {  	_ =	shalt  }
0x4f: {  	_ =	shalt  }
0x50: {  	_ =	shalt  }
0x51: {  	_ =	shalt  }
0x52: {  	_ =	shalt  }
0x53: {  	_ =	shalt  }
0x54: {  	_ =	shalt  }
0x55: {  	_ =	shalt  }
0x56: {  	_ =	shalt  }
0x57: {  	_ =	shalt  }
0x58: {  	_ =	shalt  }
0x59: {  	_ =	shalt  }
0x5a: {  	_ =	shalt  }
0x5b: {  	_ =	shalt  }
0x5c: {  	_ =	shalt  }
0x5d: {  	_ =	shalt  }
0x5e: {  	_ =	shalt  }
0x5f: {  	_ =	shalt  }
0x60: {  	_ =	shalt  }
0x61: {  	_ =	shalt  }
0x62: {  	_ =	shalt  }
0x63: {  	_ =	shalt  }
0x64: {  	_ =	shalt  }
0x65: {  	_ =	shalt  }
0x66: {  	_ =	shalt  }
0x67: {  	_ =	shalt  }
0x68: {  	_ =	shalt  }
0x69: {  	_ =	shalt  }
0x6a: {  	_ =	shalt  }
0x6b: {  	_ =	shalt  }
0x6c: {  	_ =	shalt  }
0x6d: {  	_ =	shalt  }
0x6e: {  	_ =	shalt  }
0x6f: {  	_ =	shalt  }
0x70: {  	_ =	shalt  }
0x71: {  	_ =	shalt  }
0x72: {  	_ =	shalt  }
0x73: {  	_ =	shalt  }
0x74: {  	_ =	shalt  }
0x75: {  	_ =	shalt  }
0x76: {  	_ =	shalt  }
0x77: {  	_ =	shalt  }
0x78: {  	_ =	shalt  }
0x79: {  	_ =	shalt  }
0x7a: {  	_ =	shalt  }
0x7b: {  	_ =	shalt  }
0x7c: {  	_ =	shalt  }
0x7d: {  	_ =	shalt  }
0x7e: {  	_ =	shalt  }
0x7f: {  	_ =	shalt  }
0x80: {  	_ =	shalt  }
0x81: {  	_ =	shalt  }
0x82: {  	_ =	shalt  }
0x83: {  	_ =	shalt  }
0x84: {  	_ =	shalt  }
0x85: {  	_ =	shalt  }
0x86: {  	_ =	shalt  }
0x87: {  	_ =	shalt  }
.Lfunc_end0:
.L_simem_size_0:
called_computation_lowered:
.L_overlay_start_0:
0x88: {  	s2 =	sld [smem:$0x3FD9]  }
0x89: {  	s3 =	sld [smem:$0x3FFE];
	_ =	sdelay $0x1  }
0x8a: {  	s1 =	srdreg.scid  }
0x8b: {  	s0 =	sand.u32 $0x1, s1  }
0x8c: {  	s17 =	sshll.u32 s0, $0xA;
	s2 =	sadd.s32 s3, s2  }
0x8d: {  	s2 =	sadd.s32 s2, s17  }
0x8e: {  	[smem:$0x3FC6] =	sst s2  }
0x8f: {  	_ = 	snop  }
0x90: {  	s2 =	sld [smem:$0x3FC8]  }
0x91: {  	s18 =	sld [smem:$0x3FD0];
	(tm) =	ssettm $0x1  }
0x92: {  	s4 =	sld [smem:$0x3FFB];
	_ =	sdelay $0x3  }
0x93: {  	_ =	strace s4  }
0x94: {  	s4 =	sld [smem:$0x3FFC];
	_ =	sdelay $0x3  }
0x95: {  	_ =	strace s4  }
0x96: {  	s4 =	sld [smem:$0x3FFD];
	_ =	sdelay $0x3  }
0x97: {  	_ =	strace s4  }
0x98: {  	_ =	strace $0x8FFFFFFF  }
0x99: {  	s19 =	sld [smem:$0x3FDB];
	_ =	sdelay $0x1  }
0x9a: {  	s5 =	simm.s32 $_scs_section_size  }
0x9b: {  	s6 =	simm.s32 $_size__tile_overlayer_lowered;
	s7 =	simm.s32 $_tile_overlayer_lowered  }
0x9c: {  	s22 =	simm.s32 $0x1BFF;
	s21 =	sshll.u32 s7, $0x1;
	s4 =	sadd.s32 s5, s19  }
0x9d: {  	s8 =	simm.s32 $0x0;
	s20 =	sshll.u32 s6, $0x1;
	s6 =	sadd.s32 s21, s4  }
0x9e: {  	[timem:s8], [sflag:s22] =	dma.local [hbm:s6], s20  }
0x9f: {  	_ =	swait.ge [sflag:s22], s20  }
0xa0: {  	s5 =	ssub.s32 $0x0, s20;
	[sflag:s22] =	ssyncset.done $0x0  }
0xa1: {  	[sflag:s22] =	ssyncadd.s32 s5;
	_ =	sdelay $0x1  }
0xa2: {  	s23 =	simm.s32 $0x1B8B  }
0xa3: {  	_ =	swait.ge [sflag:s23], $0x1  }
0xa4: {  	[sflag:s23] =	ssyncset.done $0x0  }
0xa5: {  	s25 =	simm.s32 $0x1B8E;
	s24 =	sld [smem:$0x3FFE];
	[sflag:s23] =	ssyncadd.s32 $0xFFFFFFFF  }
0xa6: {  	s26 =	simm.s32 $execute0_lowered;
	[smem:$0x3FD2] =	sst s25  }
0xa7: {  	s6 =	sshll.u32 s26, $0x1;
	_ =	strace $0x80000046;
	[dreg:$0x1] =	wrdreg $0xFFFFFFFF  }
0xa8: {  	s28 =	simm.s32 $_size_execute0_lowered;
	s4 =	sadd.s32 s4, s6;
	[dreg:$0x0] =	wrdreg $0x0  }
0xa9: {  	s6 =	sshll.u32 s28, $0x1;
	[dreg:$0x2] =	wrdreg s4  }
0xaa: {  	[dreg:$0x3] =	wrdreg s6  }
0xab: {  	[dreg:$0x4] =	wrdreg $0xC0  }
0xac: {  	_ =	task [dreg:s8], $0x5FFFF  }
0xad: {  	[dreg:$0x1] =	wrdreg $0xFFFFFFFF  }
0xae: {  	[dreg:$0x0] =	wrdreg $0x60  }
0xaf: {  	[dreg:$0x2] =	wrdreg s24  }
0xb0: {  	[dreg:$0x3] =	wrdreg s2  }
0xb1: {  	[dreg:$0x4] =	wrdreg s18  }
0xb2: {  	[dreg:$0x5] =	wrdreg $0x164000  }
0xb3: {  	[dreg:$0x6] =	wrdreg $0x9  }
0xb4: {  	_ =	task.clear_ibuf [dreg:s8], $0x7FFFF;
	_ =	strace $0x90000046  }
0xb5: {  	s29 =	simm.s32 $0x9;
	_ =	strace $0x80000048  }
0xb6: {  	_ =	swait.ge [sflag:s29], $0x1  }
0xb7: {  	[sflag:s29] =	ssyncadd.s32 $0xFFFFFFFF  }
0xb8: {  	_ =	strace $0x90000048  }
0xb9: {  	_ =	sfence  }
0xba: {  	s30 =	sld [smem:$0x0];
	_ =	sdelay $0x2  }
0xbb: {  	s31 =	sshll.u32 s1, $0xD;
	s1 =	sshrl.u32 s1, $0x2  }
0xbc: {  	s3 =	sand.u32 $0x4000, s31;
	s1 =	sadd.s32 s1, s30  }
0xbd: {  	s0 =	sor.u32 s3, s0;
	s1 =	sshll.u32 s1, $0x11  }
0xbe: {  	s0 =	sor.u32 s1, s0  }
0xbf: {  	s0 =	sadd.s32 $0x8F2B, s0  }
0xc0: {  	[sflag:s0] =	ssyncadd.remote.s32 $0x1  }
0xc1: {  	_ =	sfence.sel $0xFFFF  }
0xc2: {  	[dreg:$0x0] =	wrdreg $0xFFFFFFFF;
	(pc) =	sbr.abs _section_cstart, $3  }
0xc3: {  	[dreg:$0x1] =	wrdreg $0xFFFFFFFF  }
0xc4: {  	_ =	task.clear_ibuf [dreg:s8], $0x2FFFF;
	_ =	strace $0x9FFFFFFF  }
0xc5: {  	(tm) =	ssettm $0x7FFFFFFF  }
tec
execute0_lowered:
.L_overlay_start_1:
0x0: {  	(tag) =	ssettag $0x1  }
0x1: {  	s4 =	rddreg [dreg:$0x0]  }
0x2: {  	s0 =	rddreg [dreg:$0x1];
	s1 =	srdreg.scid  }
0x3: {  	s8 =	stileid.u32;
	s9 =	rddreg [dreg:$0x2]  }
0x4: {  	s2 =	rddreg [dreg:$0x3];
	s3 =	simm.s32 $0x0;
	s13 =	simm.s32 $0x6400  }
0x5: {  	s14 =	simm.s32 $0xA400;
	s15 =	simm.s32 $0x1;
	s16 =	simm.s32 $0x100  }
0x6: {  	s17 =	simm.s32 $0xE400;
	s18 =	simm.s32 $0x180;
	s19 =	simm.s32 $0x12400  }
0x7: {  	s20 =	simm.s32 $0x2;
	s21 =	simm.s32 $0x3;
	s22 =	simm.s32 $0x0  }
0x8: {  	s5 =	sand.u32 $0x1, s1;
	s28 =	sshll.u32 s8, $0x1;
	s11 =	smul.u32 $0x640000, s8  }
0x9: {  	s1 =	rddreg [dreg:$0x4];
	s6 =	sor.u32 s5, s28;
	s12 =	smul.u32 $0x320000, s5  }
0xa: {  	[smem:$0x7FF] =	sst s3;
	s10 =	ssub.s32 $0x2, s5;
	s7 =	smul.u32 $0xC80, s6  }
0xb: {  	p0 =	sne.s32 s8, $0x0;
	s6 =	smul.u32 $0x320000, s6;
	s29 =	sshrl.u32 s10, $0x1  }
0xc: {  	_ =	strace $0x80000047;
	s30 =	ssub.s32 s10, s29;
	s31 =	sadd.s32 s12, s11  }
0xd: {  	s12 =	simm.s32 $0x80;
	s4 =	sadd.s32 s7, s4;
	s6 =	sshrl.u32 s6, $0x3  }
0xe: {  	s5 =	smax.u32 s30, $0x1;
	s11 =	sor.u32 $0x10000, s31;
	s10 =	sor.u32 $0x18000, s31  }
0xf: {  	s4 =	sadd.s32 $0x400, s4;
	s6 =	sadd.s32 s9, s6;
	s11 =	sshrl.u32 s11, $0x3  }
0x10: {  	s10 =	sshrl.u32 s10, $0x3;
	s7 =	sadd.s32 $0x1000, s6;
	s8 =	sadd.s32 s11, s9  }
0x11: {  	s9 =	sadd.s32 s10, s9;
	s10 =	sshrl.u32 @!p0 s2, $0x3;
	s11 =	simm.s32 $0x4  }
.LBB2_1:
0x12: {  	s23 =	simm.s32 @!p0 $0x1C04  }
0x13: {  	[spmem:s10], [sflag:s23] =	dma.local @!p0 [hbm:s0], $0x810  }
0x14: {  	s23 =	simm.s32 @!p0 $0x4  }
0x15: {  	_ =	swait.ge @!p0 [sflag:s23], $0x810  }
0x16: {  	[sflag:s23] =	ssyncset.done @!p0 $0x0  }
0x17: {  	[sflag:s23] =	ssyncadd.s32 @!p0 $0xFFFFF7F0  }
0x18: {  	[tilespmem:s3], [sflag:$0x4] =	stream.linear.gather [hbm4b:s4+s3], $0x6400, $0x38;
	[tilespmem:$0x16808] =	vst v63  }
0x19: {  	_ =	swait.ge [sflag:s11], $0x6400  }
0x1a: {  	[sflag:s11] =	ssyncset.done $0x0  }
0x1b: {  	[sflag:s11] =	ssyncadd.s32 $0xFFFF9C00  }
0x1c: {  	[bflag:$0x0] =	sbarrier.arrive $0xFFFF  }
0x1d: {  	[tilespmem:s13], [sflag:$0x1] =	stream.indirect.gather [spmem:s2], $0x80, s3, s12, $0xb8;
	[tilespmem:$0x16808] =	vst v63  }
0x1e: {  	_ = 	snop  }
0x1f: {  	[tilespmem:s14], [sflag:$0x1] =	stream.indirect.gather [spmem:s2], $0x80, s12, s12, $0xb8;
	[tilespmem:$0x16808] =	vst v63  }
0x20: {  	_ =	swait.ge [sflag:s15], $0x4000  }
0x21: {  	[sflag:s15] =	ssyncset.done $0x0  }
0x22: {  	[sflag:s15] =	ssyncadd.s32 $0xFFFFC000  }
0x23: {  	_ =	swait.ge [sflag:s15], $0x4000  }
0x24: {  	[sflag:s15] =	ssyncset.done $0x0  }
0x25: {  	[sflag:s15] =	ssyncadd.s32 $0xFFFFC000  }
0x26: {  	[hbm4b:s6+s3] =	stream.linear.scatter [tilespmem:s13], [sflag:$0x2], $0x8000, $0x38;
	[tilespmem:$0x16808] =	vst v63  }
0x27: {  	_ = 	snop  }
0x28: {  	[tilespmem:s17], [sflag:$0x1] =	stream.indirect.gather [spmem:s2], $0x80, s16, s12, $0xb8;
	[tilespmem:$0x16808] =	vst v63  }
0x29: {  	_ = 	snop  }
0x2a: {  	[tilespmem:s19], [sflag:$0x1] =	stream.indirect.gather [spmem:s2], $0x80, s18, s12, $0xb8;
	[tilespmem:$0x16808] =	vst v63  }
0x2b: {  	_ =	swait.ge [sflag:s15], $0x4000  }
0x2c: {  	[sflag:s15] =	ssyncset.done $0x0  }
0x2d: {  	[sflag:s15] =	ssyncadd.s32 $0xFFFFC000  }
0x2e: {  	_ =	swait.ge [sflag:s15], $0x4000  }
0x2f: {  	[sflag:s15] =	ssyncset.done $0x0  }
0x30: {  	[sflag:s15] =	ssyncadd.s32 $0xFFFFC000  }
0x31: {  	[hbm4b:s7+s3] =	stream.linear.scatter [tilespmem:s17], [sflag:$0x3], $0x8000, $0x38;
	[tilespmem:$0x16808] =	vst v63  }
0x32: {  	_ =	swait.ge [sflag:s20], $0x8000  }
0x33: {  	[sflag:s20] =	ssyncset.done $0x0  }
0x34: {  	s28 =	simm.s32 $0x200;
	[sflag:s20] =	ssyncadd.s32 $0xFFFF8000  }
0x35: {  	[tilespmem:s13], [sflag:$0x1] =	stream.indirect.gather [spmem:s2], $0x80, s28, s12, $0xb8;
	[tilespmem:$0x16808] =	vst v63  }
0x36: {  	s29 =	simm.s32 $0x280  }
0x37: {  	[tilespmem:s14], [sflag:$0x1] =	stream.indirect.gather [spmem:s2], $0x80, s29, s12, $0xb8;
	[tilespmem:$0x16808] =	vst v63  }
0x38: {  	_ =	swait.ge [sflag:s15], $0x4000  }
0x39: {  	[sflag:s15] =	ssyncset.done $0x0  }
0x3a: {  	[sflag:s15] =	ssyncadd.s32 $0xFFFFC000  }
0x3b: {  	_ =	swait.ge [sflag:s15], $0x4000  }
0x3c: {  	[sflag:s15] =	ssyncset.done $0x0  }
0x3d: {  	[sflag:s15] =	ssyncadd.s32 $0xFFFFC000  }
0x3e: {  	[hbm4b:s8+s3] =	stream.linear.scatter [tilespmem:s13], [sflag:$0x2], $0x8000, $0x38;
	[tilespmem:$0x16808] =	vst v63  }
0x3f: {  	_ =	swait.ge [sflag:s21], $0x8000  }
0x40: {  	[sflag:s21] =	ssyncset.done $0x0  }
0x41: {  	s30 =	simm.s32 $0x300;
	[sflag:s21] =	ssyncadd.s32 $0xFFFF8000  }
0x42: {  	[tilespmem:s17], [sflag:$0x1] =	stream.indirect.gather [spmem:s2], $0x80, s30, s12, $0xb8;
	[tilespmem:$0x16808] =	vst v63  }
0x43: {  	s31 =	simm.s32 $0x380  }
0x44: {  	[tilespmem:s19], [sflag:$0x1] =	stream.indirect.gather [spmem:s2], $0x80, s31, s12, $0xb8;
	[tilespmem:$0x16808] =	vst v63  }
0x45: {  	_ =	swait.ge [sflag:s15], $0x4000  }
0x46: {  	[sflag:s15] =	ssyncset.done $0x0  }
0x47: {  	[sflag:s15] =	ssyncadd.s32 $0xFFFFC000  }
0x48: {  	_ =	swait.ge [sflag:s15], $0x4000  }
0x49: {  	s24 =	sadd.s32 $0x2000, s8;
	s25 =	sadd.s32 $0x2000, s9;
	[sflag:s15] =	ssyncset.done $0x0  }
0x4a: {  	s26 =	smov.u32 s9;
	s23 =	simm.s32 $0x800;
	[sflag:s15] =	ssyncadd.s32 $0xFFFFC000  }
.LBB2_2:
0x4b: {  	[hbm4b:s26+s3] =	stream.linear.scatter [tilespmem:s17], [sflag:$0x3], $0x8000, $0x38;
	[tilespmem:$0x16808] =	vst v63  }
0x4c: {  	s28 =	smov.u32 s23;
	s26 =	smov.u32 s25  }
0x4d: {  	p1 =	sne.s32 s23, $0x18000;
	s23 =	sadd.s32 $0x800, s23;
	_ =	swait.ge [sflag:s20], $0x8000  }
0x4e: {  	s28 =	sshra.s32 s28, $0x2;
	[sflag:s20] =	ssyncset.done $0x0  }
0x4f: {  	s29 =	sadd.s32 $0x200, s28;
	[sflag:s20] =	ssyncadd.s32 $0xFFFF8000  }
0x50: {  	[tilespmem:s13], [sflag:$0x1] =	stream.indirect.gather [spmem:s2], $0x80, s29, s12, $0xb8;
	[tilespmem:$0x16808] =	vst v63  }
0x51: {  	s29 =	sadd.s32 $0x280, s28  }
0x52: {  	[tilespmem:s14], [sflag:$0x1] =	stream.indirect.gather [spmem:s2], $0x80, s29, s12, $0xb8;
	[tilespmem:$0x16808] =	vst v63  }
0x53: {  	_ =	swait.ge [sflag:s15], $0x4000  }
0x54: {  	[sflag:s15] =	ssyncset.done $0x0  }
0x55: {  	[sflag:s15] =	ssyncadd.s32 $0xFFFFC000  }
0x56: {  	_ =	swait.ge [sflag:s15], $0x4000  }
0x57: {  	[sflag:s15] =	ssyncset.done $0x0  }
0x58: {  	[sflag:s15] =	ssyncadd.s32 $0xFFFFC000  }
0x59: {  	[hbm4b:s24+s3] =	stream.linear.scatter [tilespmem:s13], [sflag:$0x2], $0x8000, $0x38;
	[tilespmem:$0x16808] =	vst v63  }
0x5a: {  	_ =	swait.ge [sflag:s21], $0x8000  }
0x5b: {  	[sflag:s21] =	ssyncset.done $0x0  }
0x5c: {  	s29 =	sadd.s32 $0x300, s28;
	[sflag:s21] =	ssyncadd.s32 $0xFFFF8000  }
0x5d: {  	[tilespmem:s17], [sflag:$0x1] =	stream.indirect.gather [spmem:s2], $0x80, s29, s12, $0xb8;
	[tilespmem:$0x16808] =	vst v63  }
0x5e: {  	s28 =	sadd.s32 $0x380, s28  }
0x5f: {  	[tilespmem:s19], [sflag:$0x1] =	stream.indirect.gather [spmem:s2], $0x80, s28, s12, $0xb8;
	[tilespmem:$0x16808] =	vst v63  }
0x60: {  	_ =	swait.ge [sflag:s15], $0x4000  }
.Ltmp0:
0x61: {  	[sflag:s15] =	ssyncset.done $0x0;
	(pc) =	sbr.rel @p1 .LBB2_2-.Ltmp0, $4  }
0x62: {  	[sflag:s15] =	ssyncadd.s32 $0xFFFFC000  }
0x63: {  	_ =	swait.ge [sflag:s15], $0x4000  }
0x64: {  	[sflag:s15] =	ssyncset.done $0x0  }
0x65: {  	s25 =	sadd.s32 $0x2000, s25;
	s24 =	sadd.s32 $0x2000, s24;
	[sflag:s15] =	ssyncadd.s32 $0xFFFFC000  }
0x66: {  	[hbm4b:s26+s3] =	stream.linear.scatter [tilespmem:s17], [sflag:$0x3], $0x8000, $0x38;
	[tilespmem:$0x16808] =	vst v63  }
0x67: {  	s22 =	sadd.s32 $0x1, s22  }
0x68: {  	_ =	swait.ge [sflag:s20], $0x8000;
	p1 =	sne.s32 s22, s5  }
.Ltmp1:
0x69: {  	[sflag:s20] =	ssyncset.done $0x0;
	(pc) =	sbr.rel @p1 .LBB2_1-.Ltmp1, $4  }
0x6a: {  	[sflag:s20] =	ssyncadd.s32 $0xFFFF8000  }
0x6b: {  	_ =	swait.ge [sflag:s21], $0x8000  }
0x6c: {  	[sflag:s21] =	ssyncset.done $0x0  }
0x6d: {  	[sflag:s21] =	ssyncadd.s32 $0xFFFF8000  }
0x6e: {  	_ =	sfence.sel $0x180000  }
0x6f: {  	[bflag:$0x0] =	sbarrier.arrive $0xFFFF  }
0x70: {  	_ =	strace $0x90000047  }
0x71: {  	s0 =	sadd.s32 @!p0 $0x100000, s1;
	[bflag:$0x2] =	sbarrier.arrive $0xFFFF  }
0x72: {  	[sflag:s0] =	ssyncadd.tile.s32 @!p0 $0x1;
	_ =	shalt  }
.Lfunc_end2:
_tile_overlayer_lowered:
.L_overlay_start_2:
0x73: {  	(tag) =	ssettag $0x2  }
0x74: {  	s0 =	rddreg [dreg:$0x0];
	s2 =	stileid.u32  }
0x75: {  	s1 =	rddreg [dreg:$0x1];
	p0 =	sne.s32 s2, $0x0  }
0x76: {  	s3 =	rddreg [dreg:$0x2];
	[bflag:$0x3] =	sbarrier.arrive $0xFFFF;
	s2 =	simm.s32 @!p0 $0x1C04  }
0x77: {  	[timem:s3], [sflag:s2] =	dma.local @!p0 [hbm:s0], s1  }
0x78: {  	s0 =	simm.s32 @!p0 $0x4  }
0x79: {  	_ =	swait.ge @!p0 [sflag:s0], s1  }
0x7a: {  	s1 =	ssub.s32 @!p0 $0x0, s1;
	[sflag:s0] =	ssyncset.done @!p0 $0x0  }
0x7b: {  	[sflag:s0] =	ssyncadd.s32 @!p0 s1  }
0x7c: {  	[bflag:$0x3] =	sbarrier.arrive $0xFFFF  }
0x7d: {  	_ =	shalt  }

</sc_bundles>
